<compile_context>
chip_gen: v7x
topology: tpu7x:2x2x1
jax: 0.10.2.dev20260603
libtpu: 0.0.44.dev20260713+nightly
codegen_flags: <defaults>
</compile_context>

<pallas_src>
import functools

import jax
import jax.numpy as jnp
from jax import lax
from jax.experimental import pallas as pl
from jax.experimental.pallas import tpu as pltpu
from jax.experimental.pallas import tpu_sc as plsc

PRE_SEQ_LEN = 128
EMBED_DIM = 49152
K = 8
DC = EMBED_DIM // K
NW = 32
R = 8


def _sc_gather(table2, eidx, bk):
    rows_per_w = bk // NW
    nbatch = rows_per_w // R
    mesh = plsc.VectorSubcoreMesh(core_axis_name="c", subcore_axis_name="s")

    @functools.partial(
        pl.kernel,
        mesh=mesh,
        out_type=jax.ShapeDtypeStruct((bk, DC), jnp.float32),
        scratch_types=[
            pltpu.VMEM((rows_per_w,), jnp.int32),
            pltpu.VMEM((R, DC), jnp.float32),
            pltpu.SemaphoreType.DMA,
        ],
    )
    def body(table_hbm, eidx_hbm, out_hbm, idx_v, buf, sem):
        wid = lax.axis_index("s") * 2 + lax.axis_index("c")
        base = wid * rows_per_w
        pltpu.sync_copy(eidx_hbm.at[pl.ds(base, rows_per_w)], idx_v)

        def step(j, carry):
            off = pl.multiple_of(j * R, 8)
            pltpu.async_copy(
                table_hbm.at[idx_v.at[pl.ds(off, R)]], buf, sem
            ).wait()
            pltpu.sync_copy(buf, out_hbm.at[pl.ds(base + off, R)])
            return carry

        lax.fori_loop(0, nbatch, step, 0)

    return body(table2, eidx)


def kernel(prefix, embedding):
    b, s = prefix.shape
    bk = b * s * K
    idx = prefix.reshape(-1).astype(jnp.int32)
    eidx = (idx[:, None] * K + jnp.arange(K, dtype=jnp.int32)[None, :]).reshape(-1)
    table2 = embedding.reshape(PRE_SEQ_LEN * K, DC)
    out2 = _sc_gather(table2, eidx, bk)
    return out2.reshape(b, s, EMBED_DIM)

# --- scband reference (transcript-rebuilt; emitter-appended) ---
"""Pipeline reference for scband-prefix-encoder-clean-41927470743942 (READ-ONLY COPY).

The authoritative reference and input builder live on the scoring server;
editing this copy changes nothing except your own understanding.
"""

import jax, jax.numpy as jnp
import numpy as np

PRE_SEQ_LEN = 128
HIDDEN = 1024
NUM_LAYERS = 24
EMBED_DIM = NUM_LAYERS * 2 * HIDDEN  # 49152
BATCH = 16


def setup_inputs(seed: int = 0) -> dict:
    key = jax.random.key(seed)
    k1, k2 = jax.random.split(key)
    prefix = jax.random.randint(k1, (BATCH, PRE_SEQ_LEN), 0, PRE_SEQ_LEN, dtype=jnp.int64 if jax.config.jax_enable_x64 else jnp.int32)
    embedding = jax.random.normal(k2, (PRE_SEQ_LEN, EMBED_DIM), dtype=jnp.float32) * 0.02
    return {"prefix": prefix, "embedding": embedding}


def reference(prefix, embedding):
    # prefix_projection=False path: past_key_values = self.embedding(prefix)
    past_key_values = jnp.take(embedding, prefix, axis=0)
    return past_key_values

if __name__ == "__main__":
    import jax
    _d = setup_inputs()
    print(jax.jit(kernel)(*tuple(_d.values())))

</pallas_src>

<mosaic_0001>
#map = affine_map<(d0, d1) -> (0, 0)>
#map1 = affine_map<(d0, d1) -> (0)>
module attributes {stable_mosaic.version = 14 : i64} {
  func.func @body(%arg0: i32, %arg1: i32, %arg2: memref<1024x6144xf32, #tpu.memory_space<hbm>>, %arg3: memref<16384xi32, #tpu.memory_space<hbm>>, %arg4: memref<16384x6144xf32, #tpu.memory_space<hbm>>, %arg5: memref<512xi32, #tpu.memory_space<vmem>>, %arg6: memref<8x6144xf32, #tpu.memory_space<vmem>>, %arg7: memref<!tpu.dma_semaphore, #tpu.memory_space<semaphore_mem>>) attributes {dimension_semantics = [#tpu.dimension_semantics<core_parallel>, #tpu.dimension_semantics<subcore_parallel>], iteration_bounds = array<i64: 2, 16>, scalar_prefetch = 0 : i64, scratch_operands = 3 : i64, tpu.core_type = #tpu.core_type<sc_vector_subcore>, window_params = [{transform_indices = #map}, {transform_indices = #map1}, {transform_indices = #map}]} {
    %mul3A = arith.constant 2 : i32
    %mul3A_0 = arith.muli %arg1, %mul3A : i32
    %add3A = arith.addi %mul3A_0, %arg0 : i32
    %mul3A_1 = arith.constant 512 : i32
    %mul3A_2 = arith.muli %add3A, %mul3A_1 : i32
    "tpu.region"() ({
      %run_scoped3A = tpu.sem_alloc : memref<!tpu.dma_semaphore, #tpu.memory_space<semaphore_mem>>
      %dma_start3A = tpu.memref_slice %arg3[%mul3A_2] : memref<16384xi32, #tpu.memory_space<hbm>> -> memref<512xi32, #tpu.memory_space<hbm>>
      %dma_start3A_8 = tpu.memref_slice %arg3[%mul3A_2] : memref<16384xi32, #tpu.memory_space<hbm>> -> memref<512xi32, #tpu.memory_space<hbm>>
      tpu.enqueue_dma source(%dma_start3A_8 : memref<512xi32, #tpu.memory_space<hbm>>) target(%arg5 : memref<512xi32, #tpu.memory_space<vmem>>) target_semaphore(%run_scoped3A : memref<!tpu.dma_semaphore, #tpu.memory_space<semaphore_mem>>)
      %dma_wait3A = tpu.memref_slice %arg3[%mul3A_2] : memref<16384xi32, #tpu.memory_space<hbm>> -> memref<512xi32, #tpu.memory_space<hbm>>
      %dma_wait3A_9 = tpu.memref_slice %arg3[%mul3A_2] : memref<16384xi32, #tpu.memory_space<hbm>> -> memref<512xi32, #tpu.memory_space<hbm>>
      tpu.wait_dma2 semaphore(%run_scoped3A : memref<!tpu.dma_semaphore, #tpu.memory_space<semaphore_mem>>) src(%dma_wait3A_9 : memref<512xi32, #tpu.memory_space<hbm>>) dst(%arg5 : memref<512xi32, #tpu.memory_space<vmem>>)
      tpu.yield
    }) : () -> ()
    %scan3A = arith.constant 0 : i32
    %scan3A_3 = arith.constant 0 : i32
    %scan3A_4 = arith.constant 64 : i32
    %scan3A_5 = arith.addi %scan3A_3, %scan3A_4 : i32
    %scan3A_6 = arith.constant 1 : i32
    scf.for %scan3A_8 = %scan3A_3 to %scan3A_5 step %scan3A_6  : i32 {
      %mul3A_9 = arith.constant 8 : i32
      %mul3A_10 = arith.muli %scan3A_8, %mul3A_9 : i32
      %multiple_of3A = tpu.assume_multiple %mul3A_10, 8 : i32
      %dma_start3A = tpu.memref_slice %arg5[%multiple_of3A] : memref<512xi32, #tpu.memory_space<vmem>> -> memref<8xi32, #tpu.memory_space<vmem>>
      %dma_start3A_11 = arith.constant 0 : i32
      %dma_start3A_12 = arith.constant 0 : i32
      %dma_start3A_13 = tpu.memref_slice %arg2[%dma_start3A_11, %dma_start3A_12] : memref<1024x6144xf32, #tpu.memory_space<hbm>> -> memref<1024x6144xf32, #tpu.memory_space<hbm>>
      tpu.enqueue_indirect_dma source(%dma_start3A_13 : memref<1024x6144xf32, #tpu.memory_space<hbm>>) target(%arg6 : memref<8x6144xf32, #tpu.memory_space<vmem>>) offsets(%dma_start3A : memref<8xi32, #tpu.memory_space<vmem>>) semaphore(%arg7 : memref<!tpu.dma_semaphore, #tpu.memory_space<semaphore_mem>>)
      %dma_wait3A = tpu.memref_slice %arg5[%multiple_of3A] : memref<512xi32, #tpu.memory_space<vmem>> -> memref<8xi32, #tpu.memory_space<vmem>>
      %dma_wait3A_14 = arith.constant 0 : i32
      %dma_wait3A_15 = arith.constant 0 : i32
      %dma_wait3A_16 = tpu.memref_slice %arg2[%dma_wait3A_14, %dma_wait3A_15] : memref<1024x6144xf32, #tpu.memory_space<hbm>> -> memref<1024x6144xf32, #tpu.memory_space<hbm>>
      tpu.wait_indirect_dma semaphore(%arg7 : memref<!tpu.dma_semaphore, #tpu.memory_space<semaphore_mem>>) src(%dma_wait3A_16 : memref<1024x6144xf32, #tpu.memory_space<hbm>>) dst(%arg6 : memref<8x6144xf32, #tpu.memory_space<vmem>>)
      %add3A_17 = arith.addi %mul3A_2, %multiple_of3A : i32
      "tpu.region"() ({
        %run_scoped3A = tpu.sem_alloc : memref<!tpu.dma_semaphore, #tpu.memory_space<semaphore_mem>>
        %dma_start3A_18 = arith.constant 0 : i32
        %dma_start3A_19 = tpu.memref_slice %arg4[%add3A_17, %dma_start3A_18] : memref<16384x6144xf32, #tpu.memory_space<hbm>> -> memref<8x6144xf32, #tpu.memory_space<hbm>>
        %dma_start3A_20 = arith.constant 0 : i32
        %dma_start3A_21 = tpu.memref_slice %arg4[%add3A_17, %dma_start3A_20] : memref<16384x6144xf32, #tpu.memory_space<hbm>> -> memref<8x6144xf32, #tpu.memory_space<hbm>>
        tpu.enqueue_dma source(%arg6 : memref<8x6144xf32, #tpu.memory_space<vmem>>) target(%dma_start3A_21 : memref<8x6144xf32, #tpu.memory_space<hbm>>) target_semaphore(%run_scoped3A : memref<!tpu.dma_semaphore, #tpu.memory_space<semaphore_mem>>)
        %dma_wait3A_22 = arith.constant 0 : i32
        %dma_wait3A_23 = tpu.memref_slice %arg4[%add3A_17, %dma_wait3A_22] : memref<16384x6144xf32, #tpu.memory_space<hbm>> -> memref<8x6144xf32, #tpu.memory_space<hbm>>
        %dma_wait3A_24 = arith.constant 0 : i32
        %dma_wait3A_25 = tpu.memref_slice %arg4[%add3A_17, %dma_wait3A_24] : memref<16384x6144xf32, #tpu.memory_space<hbm>> -> memref<8x6144xf32, #tpu.memory_space<hbm>>
        tpu.wait_dma2 semaphore(%run_scoped3A : memref<!tpu.dma_semaphore, #tpu.memory_space<semaphore_mem>>) src(%arg6 : memref<8x6144xf32, #tpu.memory_space<vmem>>) dst(%dma_wait3A_25 : memref<8x6144xf32, #tpu.memory_space<hbm>>)
        tpu.yield
      }) : () -> ()
    }
    %scan3A_7 = arith.constant 64 : i32
    return
  }
}

</mosaic_0001>

<sc_bundles>
// kernel: kernel.3.cloned.1.call-start
scs
__scs_entry_jumppad:
0x0: {  	(pc) =	sbr.rel $0x88, $3  }
0x1: {  	(tag) =	ssettag $0x0;
	lr =	simm.s32 $0x1  }
0x2: {  	[smem:$0x3F9F] =	sst lr;
	_ =	strace $0xD0000000  }
0x3: {  	_ = 	snop  }
0x4: {  	_ = 	snop  }
0x5: {  	_ = 	snop  }
0x6: {  	_ = 	snop  }
0x7: {  	_ = 	snop  }
__scs_overlays_trampoline_lowered:
0x8: {  	[smem:$0x3FAE] =	sst s0  }
0x9: {  	[smem:$0x3FAF] =	sst s1  }
0xa: {  	[smem:$0x3FB0] =	sst s2  }
0xb: {  	[smem:$0x3FB1] =	sst s3  }
0xc: {  	[smem:$0x3FB2] =	sst s4  }
0xd: {  	[smem:$0x3FB3] =	sst s5  }
0xe: {  	[smem:$0x3FB4] =	sst s6  }
0xf: {  	[smem:$0x3FB5] =	sst s7  }
0x10: {  	[smem:$0x3FB6] =	sst s8  }
0x11: {  	[smem:$0x3FB7] =	sst s9;
	s0 =	simm.s32 @!p0 $0x0  }
0x12: {  	s1 =	sld [smem:$0x3F9D];
	s0 =	simm.s32 @p0 $0x1  }
0x13: {  	[smem:$0x3FB8] =	sst s0;
	s0 =	simm.s32 @!p1 $0x0  }
0x14: {  	s2 =	sld [smem:$0x3F9C];
	s0 =	simm.s32 @p1 $0x1  }
0x15: {  	[smem:$0x3FB9] =	sst s0;
	s0 =	simm.s32 @!p2 $0x0  }
0x16: {  	s3 =	sld [smem:$0x3FDB];
	s0 =	simm.s32 @p2 $0x1  }
0x17: {  	s4 =	simm.s32 $0x1BF5;
	[smem:$0x3FBB] =	sst s0  }
0x18: {  	s0 =	sld [smem:$0x3F9E];
	_ =	swait.ge [sflag:s4], $0x0  }
0x19: {  	s7 =	sld [smem:$0x3F9F]  }
0x1a: {  	s8 =	sadd.s32 $0xFFFFE003, lr  }
0x1b: {  	s9 =	sadd.s32 $0xFFFFFEF7, lr;
	s5 =	simm.s32 $0xFFFFFFFF;
	p2 =	slt.u32 s8, $0xFFFFF086  }
0x1c: {  	p1 =	slt.u32 s9, $0xF7A;
	s5 =	simm.s32 @!p2 $0x0  }
0x1d: {  	s5 =	simm.s32 @p1 $0x1;
	p0 =	seq.s32 s7, s2  }
0x1e: {  	s7 =	smul.u32 @!p0 $0xF7A, s2;
	p2 =	seq.s32 @!p0 s5, $0x0  }
0x1f: {  	s9 =	smul.u32 $0xF7A, s1;
	s8 =	simm.s32 @!p0 $0x1BF5;
	p2 =	por !p2, p0  }
0x20: {  	[sflag:s8] =	ssyncset.s32 @!p0 $0xFFFFF086;
	s6 =	sadd.s32 @!p0 s3, s7;
	s7 =	simm.s32 @!p0 $0x108  }
0x21: {  	s3 =	sadd.s32 s3, s9;
	s6 =	sadd.s32 @!p0 $0x88, s6;
	s7 =	simm.s32 @p2 $0x1082  }
0x22: {  	[simem:s7], [sflag:s8] =	dma.local @!p0 [hbm:s6], $0xF7A  }
0x23: {  	s9 =	sor.u32 $0xD0000000, s2;
	s6 =	simm.s32 $0x108;
	_ =	swait.ge @!p0 [sflag:s8], $0x0  }
0x24: {  	s3 =	sadd.s32 $0x88, s3;
	s6 =	simm.s32 @!p1 $0x1082;
	[sflag:s4] =	ssyncset.s32 $0xFFFFF086  }
0x25: {  	[simem:s6], [sflag:s4] =	dma.local [hbm:s3], $0xF7A  }
0x26: {  	[smem:$0x3F9F] =	sst s1;
	(tag) =	ssettag s2;
	_ =	strace s9  }
0x27: {  	s1 =	sld [smem:$0x3FAF]  }
0x28: {  	s2 =	sld [smem:$0x3FB0]  }
0x29: {  	s4 =	sld [smem:$0x3FB2]  }
0x2a: {  	p0 =	seq.s32 s5, $0x0;
	s5 =	sld [smem:$0x3FB3]  }
0x2b: {  	s6 =	sld [smem:$0x3FB4]  }
0x2c: {  	s7 =	sld [smem:$0x3FB5]  }
0x2d: {  	s3 =	simm.s32 $0x108;
	s8 =	sld [smem:$0x3FB6]  }
0x2e: {  	s3 =	simm.s32 @!p0 $0x1082;
	s9 =	sld [smem:$0x3FB7]  }
0x2f: {  	lr =	sadd.s32 s0, s3;
	s0 =	sld [smem:$0x3FAE]  }
0x30: {  	s3 =	sld [smem:$0x3FB1]  }
0x31: {  	[smem:$0x3FBA] =	sst s10  }
0x32: {  	s10 =	sld [smem:$0x3FB8];
	_ =	sdelay $0x3  }
0x33: {  	p0 =	seq.s32 s10, $0x1;
	s10 =	sld [smem:$0x3FBA];
	_ =	sdelay $0x3  }
0x34: {  	[smem:$0x3FBA] =	sst s10  }
0x35: {  	s10 =	sld [smem:$0x3FB9];
	_ =	sdelay $0x3  }
0x36: {  	p1 =	seq.s32 s10, $0x1;
	s10 =	sld [smem:$0x3FBA];
	_ =	sdelay $0x3  }
0x37: {  	[smem:$0x3FBA] =	sst s10  }
0x38: {  	s10 =	sld [smem:$0x3FBB]  }
0x39: {  	_ = 	snop;
	(pc) =	sbr.ind lr, $3  }
0x3a: {  	_ = 	snop  }
0x3b: {  	_ = 	snop  }
0x3c: {  	p2 =	seq.s32 s10, $0x1;
	s10 =	sld [smem:$0x3FBA]  }
0x3d: {  	_ =	shalt  }
0x3e: {  	_ =	shalt  }
0x3f: {  	_ =	shalt  }
0x40: {  	_ =	shalt  }
0x41: {  	_ =	shalt  }
0x42: {  	_ =	shalt  }
0x43: {  	_ =	shalt  }
0x44: {  	_ =	shalt  }
0x45: {  	_ =	shalt  }
0x46: {  	_ =	shalt  }
0x47: {  	_ =	shalt  }
0x48: {  	_ =	shalt  }
0x49: {  	_ =	shalt  }
0x4a: {  	_ =	shalt  }
0x4b: {  	_ =	shalt  }
0x4c: {  	_ =	shalt  }
0x4d: {  	_ =	shalt  }
0x4e: {  	_ =	shalt  }
0x4f: {  	_ =	shalt  }
0x50: {  	_ =	shalt  }
0x51: {  	_ =	shalt  }
0x52: {  	_ =	shalt  }
0x53: {  	_ =	shalt  }
0x54: {  	_ =	shalt  }
0x55: {  	_ =	shalt  }
0x56: {  	_ =	shalt  }
0x57: {  	_ =	shalt  }
0x58: {  	_ =	shalt  }
0x59: {  	_ =	shalt  }
0x5a: {  	_ =	shalt  }
0x5b: {  	_ =	shalt  }
0x5c: {  	_ =	shalt  }
0x5d: {  	_ =	shalt  }
0x5e: {  	_ =	shalt  }
0x5f: {  	_ =	shalt  }
0x60: {  	_ =	shalt  }
0x61: {  	_ =	shalt  }
0x62: {  	_ =	shalt  }
0x63: {  	_ =	shalt  }
0x64: {  	_ =	shalt  }
0x65: {  	_ =	shalt  }
0x66: {  	_ =	shalt  }
0x67: {  	_ =	shalt  }
0x68: {  	_ =	shalt  }
0x69: {  	_ =	shalt  }
0x6a: {  	_ =	shalt  }
0x6b: {  	_ =	shalt  }
0x6c: {  	_ =	shalt  }
0x6d: {  	_ =	shalt  }
0x6e: {  	_ =	shalt  }
0x6f: {  	_ =	shalt  }
0x70: {  	_ =	shalt  }
0x71: {  	_ =	shalt  }
0x72: {  	_ =	shalt  }
0x73: {  	_ =	shalt  }
0x74: {  	_ =	shalt  }
0x75: {  	_ =	shalt  }
0x76: {  	_ =	shalt  }
0x77: {  	_ =	shalt  }
0x78: {  	_ =	shalt  }
0x79: {  	_ =	shalt  }
0x7a: {  	_ =	shalt  }
0x7b: {  	_ =	shalt  }
0x7c: {  	_ =	shalt  }
0x7d: {  	_ =	shalt  }
0x7e: {  	_ =	shalt  }
0x7f: {  	_ =	shalt  }
0x80: {  	_ =	shalt  }
0x81: {  	_ =	shalt  }
0x82: {  	_ =	shalt  }
0x83: {  	_ =	shalt  }
0x84: {  	_ =	shalt  }
0x85: {  	_ =	shalt  }
0x86: {  	_ =	shalt  }
0x87: {  	_ =	shalt  }
.Lfunc_end0:
.L_simem_size_0:
called_computation_lowered:
.L_overlay_start_0:
0x88: {  	s2 =	sld [smem:$0x3FD9]  }
0x89: {  	s3 =	sld [smem:$0x3FFE];
	_ =	sdelay $0x1  }
0x8a: {  	s1 =	srdreg.scid  }
0x8b: {  	s0 =	sand.u32 $0x1, s1  }
0x8c: {  	s17 =	sshll.u32 s0, $0xA;
	s2 =	sadd.s32 s3, s2  }
0x8d: {  	s2 =	sadd.s32 s2, s17  }
0x8e: {  	[smem:$0x3FC6] =	sst s2  }
0x8f: {  	_ = 	snop  }
0x90: {  	s2 =	sld [smem:$0x3FD0];
	(tm) =	ssettm $0x1  }
0x91: {  	s18 =	sld [smem:$0x3FFB];
	_ =	sdelay $0x3  }
0x92: {  	_ =	strace s18  }
0x93: {  	s3 =	sld [smem:$0x3FFC];
	_ =	sdelay $0x3  }
0x94: {  	_ =	strace s3  }
0x95: {  	s3 =	sld [smem:$0x3FFD];
	_ =	sdelay $0x3  }
0x96: {  	_ =	strace s3  }
0x97: {  	_ =	strace $0x8FFFFFFF  }
0x98: {  	s19 =	sld [smem:$0x3FDB];
	_ =	sdelay $0x1  }
0x99: {  	s4 =	simm.s32 $_scs_section_size  }
0x9a: {  	s5 =	simm.s32 $_size__tile_overlayer_lowered;
	s6 =	simm.s32 $_tile_overlayer_lowered  }
0x9b: {  	s22 =	simm.s32 $0x1BFF;
	s21 =	sshll.u32 s6, $0x1;
	s3 =	sadd.s32 s4, s19  }
0x9c: {  	s7 =	simm.s32 $0x0;
	s20 =	sshll.u32 s5, $0x1;
	s5 =	sadd.s32 s21, s3  }
0x9d: {  	[timem:s7], [sflag:s22] =	dma.local [hbm:s5], s20  }
0x9e: {  	_ =	swait.ge [sflag:s22], s20  }
0x9f: {  	s4 =	ssub.s32 $0x0, s20;
	[sflag:s22] =	ssyncset.done $0x0  }
0xa0: {  	[sflag:s22] =	ssyncadd.s32 s4;
	_ =	sdelay $0x1  }
0xa1: {  	s23 =	simm.s32 $0x1B8B  }
0xa2: {  	_ =	swait.ge [sflag:s23], $0x1  }
0xa3: {  	[sflag:s23] =	ssyncset.done $0x0  }
0xa4: {  	s25 =	simm.s32 $0x1B8E;
	s24 =	sld [smem:$0x3FFE];
	[sflag:s23] =	ssyncadd.s32 $0xFFFFFFFF  }
0xa5: {  	s26 =	simm.s32 $execute0_lowered;
	[smem:$0x3FD2] =	sst s25  }
0xa6: {  	s5 =	sshll.u32 s26, $0x1;
	_ =	strace $0x80000046;
	[dreg:$0x1] =	wrdreg $0xFFFFFFFF  }
0xa7: {  	s28 =	simm.s32 $_size_execute0_lowered;
	s3 =	sadd.s32 s3, s5;
	[dreg:$0x0] =	wrdreg $0x0  }
0xa8: {  	s5 =	sshll.u32 s28, $0x1;
	[dreg:$0x2] =	wrdreg s3  }
0xa9: {  	[dreg:$0x3] =	wrdreg s5  }
0xaa: {  	[dreg:$0x4] =	wrdreg $0xC0  }
0xab: {  	_ =	task [dreg:s7], $0x5FFFF  }
0xac: {  	[dreg:$0x1] =	wrdreg $0xFFFFFFFF  }
0xad: {  	[dreg:$0x0] =	wrdreg $0x60  }
0xae: {  	[dreg:$0x2] =	wrdreg s2  }
0xaf: {  	[dreg:$0x3] =	wrdreg s24  }
0xb0: {  	[dreg:$0x4] =	wrdreg $0x9  }
0xb1: {  	_ =	task.clear_ibuf [dreg:s7], $0x5FFFF;
	_ =	strace $0x90000046  }
0xb2: {  	s29 =	simm.s32 $0x9;
	_ =	strace $0x80000048  }
0xb3: {  	_ =	swait.ge [sflag:s29], $0x1  }
0xb4: {  	[sflag:s29] =	ssyncadd.s32 $0xFFFFFFFF  }
0xb5: {  	_ =	strace $0x90000048  }
0xb6: {  	_ =	sfence  }
0xb7: {  	s30 =	sld [smem:$0x0];
	_ =	sdelay $0x2  }
0xb8: {  	s31 =	sshll.u32 s1, $0xD;
	s1 =	sshrl.u32 s1, $0x2  }
0xb9: {  	s3 =	sand.u32 $0x4000, s31;
	s1 =	sadd.s32 s1, s30  }
0xba: {  	s0 =	sor.u32 s3, s0;
	s1 =	sshll.u32 s1, $0x11  }
0xbb: {  	s0 =	sor.u32 s1, s0  }
0xbc: {  	s0 =	sadd.s32 $0x8F2B, s0  }
0xbd: {  	[sflag:s0] =	ssyncadd.remote.s32 $0x1  }
0xbe: {  	_ =	sfence.sel $0xFFFF  }
0xbf: {  	[dreg:$0x0] =	wrdreg $0xFFFFFFFF;
	(pc) =	sbr.abs _section_cstart, $3  }
0xc0: {  	[dreg:$0x1] =	wrdreg $0xFFFFFFFF  }
0xc1: {  	_ =	task.clear_ibuf [dreg:s7], $0x2FFFF;
	_ =	strace $0x9FFFFFFF  }
0xc2: {  	(tm) =	ssettm $0x7FFFFFFF  }
0xc3: {  	_ =	shalt  }
tec
execute0_lowered:
.L_overlay_start_1:
0x0: {  	(tag) =	ssettag $0x1  }
0x1: {  	s1 =	rddreg [dreg:$0x0]  }
0x2: {  	s0 =	rddreg [dreg:$0x1];
	s2 =	simm.s32 $0x0  }
0x3: {  	[smem:$0x7FF] =	sst s2;
	s3 =	sadd.s32 $0x100, s1  }
0x4: {  	s21 =	sadd.s32 $0x200, s1;
	_ =	strace $0x80000047;
	[dreg:$0x3] =	wrdreg s3  }
0x5: {  	s22 =	sadd.s32 $0x300, s1;
	[dreg:$0x4] =	wrdreg s21  }
0x6: {  	s23 =	sadd.s32 $0x400, s1;
	[dreg:$0x5] =	wrdreg s22  }
0x7: {  	s24 =	sadd.s32 $0x500, s1;
	[dreg:$0x6] =	wrdreg s23  }
0x8: {  	s25 =	sadd.s32 $0x600, s1;
	[dreg:$0x7] =	wrdreg s24  }
0x9: {  	s26 =	sadd.s32 $0x700, s1;
	[dreg:$0x8] =	wrdreg s25  }
0xa: {  	s4 =	sadd.s32 $0x800, s1;
	[dreg:$0x9] =	wrdreg s26  }
0xb: {  	s5 =	sadd.s32 $0x900, s1;
	[dreg:$0xa] =	wrdreg s4  }
0xc: {  	s6 =	sadd.s32 $0xA00, s1;
	[dreg:$0xb] =	wrdreg s5  }
0xd: {  	s8 =	sadd.s32 $0xB00, s1;
	[dreg:$0xc] =	wrdreg s6  }
0xe: {  	s9 =	sadd.s32 $0xC00, s1;
	[dreg:$0xd] =	wrdreg s8  }
0xf: {  	s10 =	sadd.s32 $0xD00, s1;
	[dreg:$0xe] =	wrdreg s9  }
0x10: {  	s7 =	stileid.u32;
	s11 =	sadd.s32 $0xE00, s1;
	[dreg:$0xf] =	wrdreg s10  }
0x11: {  	s28 =	simm.s32 $0xAA00;
	s12 =	sadd.s32 $0xF00, s1;
	[dreg:$0x10] =	wrdreg s11  }
0x12: {  	s29 =	simm.s32 $0xB200;
	s14 =	sadd.s32 $0x1000, s1;
	[dreg:$0x11] =	wrdreg s12  }
0x13: {  	s30 =	simm.s32 $0xBA00;
	s15 =	sadd.s32 $0x1100, s1;
	[dreg:$0x12] =	wrdreg s14  }
0x14: {  	s31 =	simm.s32 $0x1;
	s16 =	sadd.s32 $0x1200, s1;
	[dreg:$0x13] =	wrdreg s15  }
0x15: {  	s13 =	smul.u32 $0xC0000, s7;
	s18 =	sadd.s32 $0x1300, s1;
	[dreg:$0x14] =	wrdreg s16  }
0x16: {  	s20 =	sadd.s32 $0x1400, s1;
	s4 =	srdreg.scid;
	[dreg:$0x15] =	wrdreg s18  }
0x17: {  	s5 =	sshll.u32 s7, $0x7;
	[dreg:$0x16] =	wrdreg s20;
	s21 =	sadd.s32 $0x1500, s1  }
0x18: {  	s22 =	sadd.s32 $0x1600, s1;
	s23 =	sadd.s32 $0x1700, s1;
	s7 =	simm.s32 $0x2  }
0x19: {  	s25 =	simm.s32 $0xA00;
	s8 =	simm.s32 $0x200;
	s26 =	simm.s32 $0x1200  }
0x1a: {  	s10 =	simm.s32 $0x2200;
	s11 =	simm.s32 $0x2A00;
	[dreg:$0x17] =	wrdreg s21  }
0x1b: {  	s12 =	simm.s32 $0x3200;
	s14 =	simm.s32 $0x4200;
	[dreg:$0x18] =	wrdreg s22  }
0x1c: {  	s15 =	simm.s32 $0x4A00;
	s16 =	simm.s32 $0x5200;
	[dreg:$0x19] =	wrdreg s23  }
0x1d: {  	s18 =	simm.s32 $0x6200;
	s20 =	simm.s32 $0x7200;
	[dreg:$0x1a] =	wrdreg s25  }
0x1e: {  	s1 =	simm.s32 $0x0;
	s4 =	sand.u32 $0x1, s4;
	[dreg:$0x1b] =	wrdreg s26  }
0x1f: {  	s21 =	simm.s32 $0x7A00;
	s22 =	simm.s32 $0x8200;
	s23 =	simm.s32 $0x8A00  }
0x20: {  	s25 =	simm.s32 $0x9A00;
	s26 =	simm.s32 $0xA200;
	s6 =	sshll.u32 s4, $0x6  }
0x21: {  	s17 =	ssub.s32 $0x2, s4;
	s4 =	smul.u32 $0x60000, s4;
	s5 =	sor.u32 s6, s5  }
0x22: {  	s19 =	sshrl.u32 s17, $0x1;
	s5 =	sadd.s32 s5, s0;
	s0 =	sadd.s32 s13, s0  }
0x23: {  	s6 =	ssub.s32 s17, s19;
	s13 =	simm.s32 $0x3A00;
	s5 =	sadd.s32 $0x400, s5  }
0x24: {  	v0 =	vlaneseq.u32;
	s24 =	smax.u32 s6, $0x1;
	s0 =	sadd.s32 s4, s0;
	[dreg:$0x1c] =	wrdreg s5  }
0x25: {  	v1 =	vshrl.u32 v0, $0x3;
	s17 =	simm.s32 $0x5A00;
	[dreg:$0x1d] =	wrdreg s24;
	s0 =	sadd.s32 $0xC00, s0  }
0x26: {  	vm0 =	vmmov $0xffff;
	v0 =	vand.u32 $0x7, v0;
	v1 =	vmul.u32 $0x8, v1;
	s19 =	simm.s32 $0x6A00;
	s24 =	simm.s32 $0x9200;
	[dreg:$0x1e] =	wrdreg s0  }
.LBB2_1:
0x27: {  	[dreg:$0x1f] =	wrdreg s1  }
0x28: {  	s0 =	rddreg [dreg:$0x1c]  }
0x29: {  	[tilespmem:s2], [sflag:$0x2] =	stream.linear.gather [hbm4b:s0+s2], $0x200, $0x38;
	[tilespmem:$0xC200] =	vst v63  }
0x2a: {  	_ =	swait.ge [sflag:s7], $0x200  }
0x2b: {  	[sflag:s7] =	ssyncset.done $0x0  }
0x2c: {  	s3 =	simm.s32 $0x0;
	[sflag:s7] =	ssyncadd.s32 $0xFFFFFE00  }
0x2d: {  	v2 =	vld.msk [tilespmem:s3+$0x0], $0xff;
	_ =	sdelay $0x4  }
0x2e: {  	v3 =	vshrl.u32 v2, $0x3  }
0x2f: {  	v3 =	vmul.u32 $0x180, v3  }
0x30: {  	v2 =	vand.u32 $0x7, v2  }
0x31: {  	v2 =	vor.u32 v2, v3  }
0x32: {  	v2 =	vperm.xlane v2, v0;
	_ =	sdelay $0x1  }
0x33: {  	v2 =	vadd.s32 v1, v2;
	_ =	sdelay $0x1  }
0x34: {  	s9 =	rddreg [dreg:$0x1b]  }
0x35: {  	s4 =	rddreg [dreg:$0x1a]  }
0x36: {  	s1 =	rddreg [dreg:$0x0]  }
0x37: {  	[tilespmem:s8], [sflag:$0x1] =	stream.indirect_vreg.gather [hbm4b:s1+s2], $0x80, v2, vm0, $0xb8;
	[tilespmem:$0xC200] =	vst v63  }
0x38: {  	s5 =	rddreg [dreg:$0x3]  }
0x39: {  	[tilespmem:s4], [sflag:$0x1] =	stream.indirect_vreg.gather [hbm4b:s5+s2], $0x80, v2, vm0, $0xb8;
	[tilespmem:$0xC200] =	vst v63  }
0x3a: {  	s6 =	rddreg [dreg:$0x4]  }
0x3b: {  	[tilespmem:s9], [sflag:$0x1] =	stream.indirect_vreg.gather [hbm4b:s6+s2], $0x80, v2, vm0, $0xb8;
	[tilespmem:$0xC200] =	vst v63  }
0x3c: {  	s5 =	rddreg [dreg:$0x5];
	s9 =	simm.s32 $0x1A00  }
0x3d: {  	[tilespmem:s9], [sflag:$0x1] =	stream.indirect_vreg.gather [hbm4b:s5+s2], $0x80, v2, vm0, $0xb8;
	[tilespmem:$0xC200] =	vst v63  }
0x3e: {  	s6 =	rddreg [dreg:$0x6]  }
0x3f: {  	[tilespmem:s10], [sflag:$0x1] =	stream.indirect_vreg.gather [hbm4b:s6+s2], $0x80, v2, vm0, $0xb8;
	[tilespmem:$0xC200] =	vst v63  }
0x40: {  	s0 =	rddreg [dreg:$0x7]  }
0x41: {  	[tilespmem:s11], [sflag:$0x1] =	stream.indirect_vreg.gather [hbm4b:s0+s2], $0x80, v2, vm0, $0xb8;
	[tilespmem:$0xC200] =	vst v63  }
0x42: {  	s1 =	rddreg [dreg:$0x8]  }
0x43: {  	[tilespmem:s12], [sflag:$0x1] =	stream.indirect_vreg.gather [hbm4b:s1+s2], $0x80, v2, vm0, $0xb8;
	[tilespmem:$0xC200] =	vst v63  }
0x44: {  	s5 =	rddreg [dreg:$0x9]  }
0x45: {  	[tilespmem:s13], [sflag:$0x1] =	stream.indirect_vreg.gather [hbm4b:s5+s2], $0x80, v2, vm0, $0xb8;
	[tilespmem:$0xC200] =	vst v63  }
0x46: {  	s6 =	rddreg [dreg:$0xa]  }
0x47: {  	[tilespmem:s14], [sflag:$0x1] =	stream.indirect_vreg.gather [hbm4b:s6+s2], $0x80, v2, vm0, $0xb8;
	[tilespmem:$0xC200] =	vst v63  }
0x48: {  	s9 =	rddreg [dreg:$0xb]  }
0x49: {  	[tilespmem:s15], [sflag:$0x1] =	stream.indirect_vreg.gather [hbm4b:s9+s2], $0x80, v2, vm0, $0xb8;
	[tilespmem:$0xC200] =	vst v63  }
0x4a: {  	s0 =	rddreg [dreg:$0xc]  }
0x4b: {  	[tilespmem:s16], [sflag:$0x1] =	stream.indirect_vreg.gather [hbm4b:s0+s2], $0x80, v2, vm0, $0xb8;
	[tilespmem:$0xC200] =	vst v63  }
0x4c: {  	s1 =	rddreg [dreg:$0xd]  }
0x4d: {  	[tilespmem:s17], [sflag:$0x1] =	stream.indirect_vreg.gather [hbm4b:s1+s2], $0x80, v2, vm0, $0xb8;
	[tilespmem:$0xC200] =	vst v63  }
0x4e: {  	s5 =	rddreg [dreg:$0xe]  }
0x4f: {  	[tilespmem:s18], [sflag:$0x1] =	stream.indirect_vreg.gather [hbm4b:s5+s2], $0x80, v2, vm0, $0xb8;
	[tilespmem:$0xC200] =	vst v63  }
0x50: {  	s6 =	rddreg [dreg:$0xf]  }
0x51: {  	[tilespmem:s19], [sflag:$0x1] =	stream.indirect_vreg.gather [hbm4b:s6+s2], $0x80, v2, vm0, $0xb8;
	[tilespmem:$0xC200] =	vst v63  }
0x52: {  	s9 =	rddreg [dreg:$0x10]  }
0x53: {  	[tilespmem:s20], [sflag:$0x1] =	stream.indirect_vreg.gather [hbm4b:s9+s2], $0x80, v2, vm0, $0xb8;
	[tilespmem:$0xC200] =	vst v63  }
0x54: {  	s0 =	rddreg [dreg:$0x11]  }
0x55: {  	[tilespmem:s21], [sflag:$0x1] =	stream.indirect_vreg.gather [hbm4b:s0+s2], $0x80, v2, vm0, $0xb8;
	[tilespmem:$0xC200] =	vst v63  }
0x56: {  	s1 =	rddreg [dreg:$0x12]  }
0x57: {  	[tilespmem:s22], [sflag:$0x1] =	stream.indirect_vreg.gather [hbm4b:s1+s2], $0x80, v2, vm0, $0xb8;
	[tilespmem:$0xC200] =	vst v63  }
0x58: {  	s5 =	rddreg [dreg:$0x13]  }
0x59: {  	[tilespmem:s23], [sflag:$0x1] =	stream.indirect_vreg.gather [hbm4b:s5+s2], $0x80, v2, vm0, $0xb8;
	[tilespmem:$0xC200] =	vst v63  }
0x5a: {  	s6 =	rddreg [dreg:$0x14]  }
0x5b: {  	[tilespmem:s24], [sflag:$0x1] =	stream.indirect_vreg.gather [hbm4b:s6+s2], $0x80, v2, vm0, $0xb8;
	[tilespmem:$0xC200] =	vst v63  }
0x5c: {  	s9 =	rddreg [dreg:$0x15]  }
0x5d: {  	[tilespmem:s25], [sflag:$0x1] =	stream.indirect_vreg.gather [hbm4b:s9+s2], $0x80, v2, vm0, $0xb8;
	[tilespmem:$0xC200] =	vst v63  }
0x5e: {  	s0 =	rddreg [dreg:$0x16]  }
0x5f: {  	[tilespmem:s26], [sflag:$0x1] =	stream.indirect_vreg.gather [hbm4b:s0+s2], $0x80, v2, vm0, $0xb8;
	[tilespmem:$0xC200] =	vst v63  }
0x60: {  	s1 =	rddreg [dreg:$0x17]  }
0x61: {  	[tilespmem:s28], [sflag:$0x1] =	stream.indirect_vreg.gather [hbm4b:s1+s2], $0x80, v2, vm0, $0xb8;
	[tilespmem:$0xC200] =	vst v63  }
0x62: {  	s5 =	rddreg [dreg:$0x18]  }
0x63: {  	[tilespmem:s29], [sflag:$0x1] =	stream.indirect_vreg.gather [hbm4b:s5+s2], $0x80, v2, vm0, $0xb8;
	[tilespmem:$0xC200] =	vst v63  }
0x64: {  	s6 =	rddreg [dreg:$0x19]  }
0x65: {  	[tilespmem:s30], [sflag:$0x1] =	stream.indirect_vreg.gather [hbm4b:s6+s2], $0x80, v2, vm0, $0xb8;
	[tilespmem:$0xC200] =	vst v63  }
0x66: {  	_ =	swait.ge [sflag:s31], $0xC000  }
0x67: {  	[sflag:s31] =	ssyncset.done $0x0  }
0x68: {  	s9 =	rddreg [dreg:$0x1e];
	[sflag:s31] =	ssyncadd.s32 $0xFFFF4000  }
0x69: {  	[hbm4b:s9+s2] =	stream.linear.scatter [tilespmem:s8], [sflag:$0x2], $0xC000, $0x38;
	[tilespmem:$0xC200] =	vst v63  }
0x6a: {  	s4 =	simm.s32 $0x20;
	_ =	swait.ge [sflag:s7], $0xC000  }
0x6b: {  	s5 =	simm.s32 $0x40;
	s3 =	sadd.s32 $0x1800, s9;
	[sflag:s7] =	ssyncset.done $0x0  }
.LBB2_2:
0x6c: {  	s0 =	sshra.s32 s4, $0x2;
	[sflag:s7] =	ssyncadd.s32 $0xFFFF4000  }
0x6d: {  	v2 =	vld.msk [tilespmem:s0+$0x0], $0xff;
	_ =	sdelay $0x4  }
0x6e: {  	v3 =	vshrl.u32 v2, $0x3  }
0x6f: {  	v3 =	vmul.u32 $0x180, v3  }
0x70: {  	v2 =	vand.u32 $0x7, v2  }
0x71: {  	v2 =	vor.u32 v2, v3  }
0x72: {  	v2 =	vperm.xlane v2, v0;
	_ =	sdelay $0x1  }
0x73: {  	v2 =	vadd.s32 v1, v2  }
0x74: {  	s4 =	smov.u32 s5  }
0x75: {  	s6 =	sadd.s32 $0x20, s5;
	p0 =	sne.s32 s5, $0x7E0;
	s5 =	rddreg [dreg:$0x1a]  }
0x76: {  	s1 =	rddreg [dreg:$0x3]  }
0x77: {  	s9 =	rddreg [dreg:$0x0]  }
0x78: {  	[tilespmem:s8], [sflag:$0x1] =	stream.indirect_vreg.gather [hbm4b:s9+s2], $0x80, v2, vm0, $0xb8;
	[tilespmem:$0xC200] =	vst v63  }
0x79: {  	s0 =	rddreg [dreg:$0x1b]  }
0x7a: {  	[tilespmem:s5], [sflag:$0x1] =	stream.indirect_vreg.gather [hbm4b:s1+s2], $0x80, v2, vm0, $0xb8;
	[tilespmem:$0xC200] =	vst v63  }
0x7b: {  	s9 =	rddreg [dreg:$0x4]  }
0x7c: {  	[tilespmem:s0], [sflag:$0x1] =	stream.indirect_vreg.gather [hbm4b:s9+s2], $0x80, v2, vm0, $0xb8;
	[tilespmem:$0xC200] =	vst v63  }
0x7d: {  	s5 =	rddreg [dreg:$0x5];
	s9 =	simm.s32 $0x1A00  }
0x7e: {  	[tilespmem:s9], [sflag:$0x1] =	stream.indirect_vreg.gather [hbm4b:s5+s2], $0x80, v2, vm0, $0xb8;
	[tilespmem:$0xC200] =	vst v63  }
0x7f: {  	s0 =	rddreg [dreg:$0x6]  }
0x80: {  	[tilespmem:s10], [sflag:$0x1] =	stream.indirect_vreg.gather [hbm4b:s0+s2], $0x80, v2, vm0, $0xb8;
	[tilespmem:$0xC200] =	vst v63  }
0x81: {  	s9 =	rddreg [dreg:$0x7]  }
0x82: {  	[tilespmem:s11], [sflag:$0x1] =	stream.indirect_vreg.gather [hbm4b:s9+s2], $0x80, v2, vm0, $0xb8;
	[tilespmem:$0xC200] =	vst v63  }
0x83: {  	s5 =	rddreg [dreg:$0x8]  }
0x84: {  	[tilespmem:s12], [sflag:$0x1] =	stream.indirect_vreg.gather [hbm4b:s5+s2], $0x80, v2, vm0, $0xb8;
	[tilespmem:$0xC200] =	vst v63  }
0x85: {  	s9 =	rddreg [dreg:$0x9]  }
0x86: {  	[tilespmem:s13], [sflag:$0x1] =	stream.indirect_vreg.gather [hbm4b:s9+s2], $0x80, v2, vm0, $0xb8;
	[tilespmem:$0xC200] =	vst v63  }
0x87: {  	s5 =	rddreg [dreg:$0xa]  }
0x88: {  	[tilespmem:s14], [sflag:$0x1] =	stream.indirect_vreg.gather [hbm4b:s5+s2], $0x80, v2, vm0, $0xb8;
	[tilespmem:$0xC200] =	vst v63  }
0x89: {  	s9 =	rddreg [dreg:$0xb]  }
0x8a: {  	[tilespmem:s15], [sflag:$0x1] =	stream.indirect_vreg.gather [hbm4b:s9+s2], $0x80, v2, vm0, $0xb8;
	[tilespmem:$0xC200] =	vst v63  }
0x8b: {  	s5 =	rddreg [dreg:$0xc]  }
0x8c: {  	[tilespmem:s16], [sflag:$0x1] =	stream.indirect_vreg.gather [hbm4b:s5+s2], $0x80, v2, vm0, $0xb8;
	[tilespmem:$0xC200] =	vst v63  }
0x8d: {  	s9 =	rddreg [dreg:$0xd]  }
0x8e: {  	[tilespmem:s17], [sflag:$0x1] =	stream.indirect_vreg.gather [hbm4b:s9+s2], $0x80, v2, vm0, $0xb8;
	[tilespmem:$0xC200] =	vst v63  }
0x8f: {  	s5 =	rddreg [dreg:$0xe]  }
0x90: {  	[tilespmem:s18], [sflag:$0x1] =	stream.indirect_vreg.gather [hbm4b:s5+s2], $0x80, v2, vm0, $0xb8;
	[tilespmem:$0xC200] =	vst v63  }
0x91: {  	s9 =	rddreg [dreg:$0xf]  }
0x92: {  	[tilespmem:s19], [sflag:$0x1] =	stream.indirect_vreg.gather [hbm4b:s9+s2], $0x80, v2, vm0, $0xb8;
	[tilespmem:$0xC200] =	vst v63  }
0x93: {  	s5 =	rddreg [dreg:$0x10]  }
0x94: {  	[tilespmem:s20], [sflag:$0x1] =	stream.indirect_vreg.gather [hbm4b:s5+s2], $0x80, v2, vm0, $0xb8;
	[tilespmem:$0xC200] =	vst v63  }
0x95: {  	s9 =	rddreg [dreg:$0x11]  }
0x96: {  	[tilespmem:s21], [sflag:$0x1] =	stream.indirect_vreg.gather [hbm4b:s9+s2], $0x80, v2, vm0, $0xb8;
	[tilespmem:$0xC200] =	vst v63  }
0x97: {  	s5 =	rddreg [dreg:$0x12]  }
0x98: {  	[tilespmem:s22], [sflag:$0x1] =	stream.indirect_vreg.gather [hbm4b:s5+s2], $0x80, v2, vm0, $0xb8;
	[tilespmem:$0xC200] =	vst v63  }
0x99: {  	s9 =	rddreg [dreg:$0x13]  }
0x9a: {  	[tilespmem:s23], [sflag:$0x1] =	stream.indirect_vreg.gather [hbm4b:s9+s2], $0x80, v2, vm0, $0xb8;
	[tilespmem:$0xC200] =	vst v63  }
0x9b: {  	s5 =	rddreg [dreg:$0x14]  }
0x9c: {  	[tilespmem:s24], [sflag:$0x1] =	stream.indirect_vreg.gather [hbm4b:s5+s2], $0x80, v2, vm0, $0xb8;
	[tilespmem:$0xC200] =	vst v63  }
0x9d: {  	s9 =	rddreg [dreg:$0x15]  }
0x9e: {  	[tilespmem:s25], [sflag:$0x1] =	stream.indirect_vreg.gather [hbm4b:s9+s2], $0x80, v2, vm0, $0xb8;
	[tilespmem:$0xC200] =	vst v63  }
0x9f: {  	s5 =	rddreg [dreg:$0x16]  }
0xa0: {  	[tilespmem:s26], [sflag:$0x1] =	stream.indirect_vreg.gather [hbm4b:s5+s2], $0x80, v2, vm0, $0xb8;
	[tilespmem:$0xC200] =	vst v63  }
0xa1: {  	s9 =	rddreg [dreg:$0x17]  }
0xa2: {  	[tilespmem:s28], [sflag:$0x1] =	stream.indirect_vreg.gather [hbm4b:s9+s2], $0x80, v2, vm0, $0xb8;
	[tilespmem:$0xC200] =	vst v63  }
0xa3: {  	s5 =	rddreg [dreg:$0x18]  }
0xa4: {  	[tilespmem:s29], [sflag:$0x1] =	stream.indirect_vreg.gather [hbm4b:s5+s2], $0x80, v2, vm0, $0xb8;
	[tilespmem:$0xC200] =	vst v63  }
0xa5: {  	s9 =	rddreg [dreg:$0x19]  }
0xa6: {  	[tilespmem:s30], [sflag:$0x1] =	stream.indirect_vreg.gather [hbm4b:s9+s2], $0x80, v2, vm0, $0xb8;
	[tilespmem:$0xC200] =	vst v63  }
0xa7: {  	_ =	swait.ge [sflag:s31], $0xC000  }
.Ltmp0:
0xa8: {  	[sflag:s31] =	ssyncset.done $0x0;
	(pc) =	sbr.rel @p0 .LBB2_2-.Ltmp0, $4  }
0xa9: {  	[sflag:s31] =	ssyncadd.s32 $0xFFFF4000  }
0xaa: {  	[hbm4b:s3+s2] =	stream.linear.scatter [tilespmem:s8], [sflag:$0x2], $0xC000, $0x38;
	[tilespmem:$0xC200] =	vst v63  }
0xab: {  	_ =	swait.ge [sflag:s7], $0xC000  }
0xac: {  	s5 =	smov.u32 s6;
	s3 =	sadd.s32 $0x1800, s3;
	[sflag:s7] =	ssyncset.done $0x0  }
0xad: {  	s0 =	sshra.s32 s4, $0x2;
	[sflag:s7] =	ssyncadd.s32 $0xFFFF4000  }
0xae: {  	v2 =	vld.msk [tilespmem:s0+$0x0], $0xff;
	_ =	sdelay $0x4  }
0xaf: {  	v3 =	vshrl.u32 v2, $0x3  }
0xb0: {  	v3 =	vmul.u32 $0x180, v3  }
0xb1: {  	v2 =	vand.u32 $0x7, v2  }
0xb2: {  	v2 =	vor.u32 v2, v3  }
0xb3: {  	v2 =	vperm.xlane v2, v0;
	_ =	sdelay $0x1  }
0xb4: {  	v2 =	vadd.s32 v1, v2;
	_ =	sdelay $0x1  }
0xb5: {  	s1 =	rddreg [dreg:$0x1a]  }
0xb6: {  	s6 =	rddreg [dreg:$0x3]  }
0xb7: {  	s5 =	rddreg [dreg:$0x0]  }
0xb8: {  	[tilespmem:s8], [sflag:$0x1] =	stream.indirect_vreg.gather [hbm4b:s5+s2], $0x80, v2, vm0, $0xb8;
	[tilespmem:$0xC200] =	vst v63  }
0xb9: {  	s9 =	rddreg [dreg:$0x4]  }
0xba: {  	[tilespmem:s1], [sflag:$0x1] =	stream.indirect_vreg.gather [hbm4b:s6+s2], $0x80, v2, vm0, $0xb8;
	[tilespmem:$0xC200] =	vst v63  }
0xbb: {  	s0 =	rddreg [dreg:$0x1b]  }
0xbc: {  	[tilespmem:s0], [sflag:$0x1] =	stream.indirect_vreg.gather [hbm4b:s9+s2], $0x80, v2, vm0, $0xb8;
	[tilespmem:$0xC200] =	vst v63  }
0xbd: {  	s4 =	rddreg [dreg:$0x5];
	s6 =	simm.s32 $0x1A00  }
0xbe: {  	[tilespmem:s6], [sflag:$0x1] =	stream.indirect_vreg.gather [hbm4b:s4+s2], $0x80, v2, vm0, $0xb8;
	[tilespmem:$0xC200] =	vst v63  }
0xbf: {  	s5 =	rddreg [dreg:$0x6]  }
0xc0: {  	[tilespmem:s10], [sflag:$0x1] =	stream.indirect_vreg.gather [hbm4b:s5+s2], $0x80, v2, vm0, $0xb8;
	[tilespmem:$0xC200] =	vst v63  }
0xc1: {  	s9 =	rddreg [dreg:$0x7]  }
0xc2: {  	[tilespmem:s11], [sflag:$0x1] =	stream.indirect_vreg.gather [hbm4b:s9+s2], $0x80, v2, vm0, $0xb8;
	[tilespmem:$0xC200] =	vst v63  }
0xc3: {  	s4 =	rddreg [dreg:$0x8]  }
0xc4: {  	[tilespmem:s12], [sflag:$0x1] =	stream.indirect_vreg.gather [hbm4b:s4+s2], $0x80, v2, vm0, $0xb8;
	[tilespmem:$0xC200] =	vst v63  }
0xc5: {  	s5 =	rddreg [dreg:$0x9]  }
0xc6: {  	[tilespmem:s13], [sflag:$0x1] =	stream.indirect_vreg.gather [hbm4b:s5+s2], $0x80, v2, vm0, $0xb8;
	[tilespmem:$0xC200] =	vst v63  }
0xc7: {  	s6 =	rddreg [dreg:$0xa]  }
0xc8: {  	[tilespmem:s14], [sflag:$0x1] =	stream.indirect_vreg.gather [hbm4b:s6+s2], $0x80, v2, vm0, $0xb8;
	[tilespmem:$0xC200] =	vst v63  }
0xc9: {  	s9 =	rddreg [dreg:$0xb]  }
0xca: {  	[tilespmem:s15], [sflag:$0x1] =	stream.indirect_vreg.gather [hbm4b:s9+s2], $0x80, v2, vm0, $0xb8;
	[tilespmem:$0xC200] =	vst v63  }
0xcb: {  	s4 =	rddreg [dreg:$0xc]  }
0xcc: {  	[tilespmem:s16], [sflag:$0x1] =	stream.indirect_vreg.gather [hbm4b:s4+s2], $0x80, v2, vm0, $0xb8;
	[tilespmem:$0xC200] =	vst v63  }
0xcd: {  	s5 =	rddreg [dreg:$0xd]  }
0xce: {  	[tilespmem:s17], [sflag:$0x1] =	stream.indirect_vreg.gather [hbm4b:s5+s2], $0x80, v2, vm0, $0xb8;
	[tilespmem:$0xC200] =	vst v63  }
0xcf: {  	s6 =	rddreg [dreg:$0xe]  }
0xd0: {  	[tilespmem:s18], [sflag:$0x1] =	stream.indirect_vreg.gather [hbm4b:s6+s2], $0x80, v2, vm0, $0xb8;
	[tilespmem:$0xC200] =	vst v63  }
0xd1: {  	s9 =	rddreg [dreg:$0xf]  }
0xd2: {  	[tilespmem:s19], [sflag:$0x1] =	stream.indirect_vreg.gather [hbm4b:s9+s2], $0x80, v2, vm0, $0xb8;
	[tilespmem:$0xC200] =	vst v63  }
0xd3: {  	s4 =	rddreg [dreg:$0x10]  }
0xd4: {  	[tilespmem:s20], [sflag:$0x1] =	stream.indirect_vreg.gather [hbm4b:s4+s2], $0x80, v2, vm0, $0xb8;
	[tilespmem:$0xC200] =	vst v63  }
0xd5: {  	s5 =	rddreg [dreg:$0x11]  }
0xd6: {  	[tilespmem:s21], [sflag:$0x1] =	stream.indirect_vreg.gather [hbm4b:s5+s2], $0x80, v2, vm0, $0xb8;
	[tilespmem:$0xC200] =	vst v63  }
0xd7: {  	s6 =	rddreg [dreg:$0x12]  }
0xd8: {  	[tilespmem:s22], [sflag:$0x1] =	stream.indirect_vreg.gather [hbm4b:s6+s2], $0x80, v2, vm0, $0xb8;
	[tilespmem:$0xC200] =	vst v63  }
0xd9: {  	s9 =	rddreg [dreg:$0x13]  }
0xda: {  	[tilespmem:s23], [sflag:$0x1] =	stream.indirect_vreg.gather [hbm4b:s9+s2], $0x80, v2, vm0, $0xb8;
	[tilespmem:$0xC200] =	vst v63  }
0xdb: {  	s4 =	rddreg [dreg:$0x14]  }
0xdc: {  	[tilespmem:s24], [sflag:$0x1] =	stream.indirect_vreg.gather [hbm4b:s4+s2], $0x80, v2, vm0, $0xb8;
	[tilespmem:$0xC200] =	vst v63  }
0xdd: {  	s5 =	rddreg [dreg:$0x15]  }
0xde: {  	[tilespmem:s25], [sflag:$0x1] =	stream.indirect_vreg.gather [hbm4b:s5+s2], $0x80, v2, vm0, $0xb8;
	[tilespmem:$0xC200] =	vst v63  }
0xdf: {  	s6 =	rddreg [dreg:$0x16]  }
0xe0: {  	[tilespmem:s26], [sflag:$0x1] =	stream.indirect_vreg.gather [hbm4b:s6+s2], $0x80, v2, vm0, $0xb8;
	[tilespmem:$0xC200] =	vst v63  }
0xe1: {  	s9 =	rddreg [dreg:$0x17]  }
0xe2: {  	[tilespmem:s28], [sflag:$0x1] =	stream.indirect_vreg.gather [hbm4b:s9+s2], $0x80, v2, vm0, $0xb8;
	[tilespmem:$0xC200] =	vst v63  }
0xe3: {  	s4 =	rddreg [dreg:$0x18]  }
0xe4: {  	[tilespmem:s29], [sflag:$0x1] =	stream.indirect_vreg.gather [hbm4b:s4+s2], $0x80, v2, vm0, $0xb8;
	[tilespmem:$0xC200] =	vst v63  }
0xe5: {  	s5 =	rddreg [dreg:$0x19]  }
0xe6: {  	[tilespmem:s30], [sflag:$0x1] =	stream.indirect_vreg.gather [hbm4b:s5+s2], $0x80, v2, vm0, $0xb8;
	[tilespmem:$0xC200] =	vst v63  }
0xe7: {  	_ =	swait.ge [sflag:s31], $0xC000  }
0xe8: {  	[sflag:s31] =	ssyncset.done $0x0  }
0xe9: {  	[sflag:s31] =	ssyncadd.s32 $0xFFFF4000  }
0xea: {  	[hbm4b:s3+s2] =	stream.linear.scatter [tilespmem:s8], [sflag:$0x2], $0xC000, $0x38;
	[tilespmem:$0xC200] =	vst v63  }
0xeb: {  	_ =	swait.ge [sflag:s7], $0xC000  }
0xec: {  	s6 =	rddreg [dreg:$0x1f]  }
0xed: {  	s9 =	rddreg [dreg:$0x1d];
	s1 =	sadd.s32 $0x1, s6  }
0xee: {  	p0 =	sne.s32 s1, s9  }
.Ltmp1:
0xef: {  	_ = 	snop;
	(pc) =	sbr.rel @p0 .LBB2_1-.Ltmp1, $3  }
0xf0: {  	_ =	sdelay $0x1  }
0xf1: {  	[sflag:s7] =	ssyncset.done $0x0  }
0xf2: {  	[sflag:s7] =	ssyncadd.s32 $0xFFFF4000  }
0xf3: {  	_ =	sfence.sel $0x180000  }
0xf4: {  	[bflag:$0x0] =	sbarrier.arrive $0xFFFF  }
0xf5: {  	_ =	strace $0x90000047  }
0xf6: {  	s0 =	stileid.u32;
	[bflag:$0x2] =	sbarrier.arrive $0xFFFF  }
0xf7: {  	p0 =	sne.s32 s0, $0x0;
	s0 =	rddreg [dreg:$0x2]  }
0xf8: {  	s0 =	sadd.s32 @!p0 $0x100000, s0  }
0xf9: {  	[sflag:s0] =	ssyncadd.tile.s32 @!p0 $0x1;
	_ =	shalt  }
.Lfunc_end2:
_tile_overlayer_lowered:
.L_overlay_start_2:
0xfa: {  	(tag) =	ssettag $0x2  }
0xfb: {  	s0 =	rddreg [dreg:$0x0];
	s2 =	stileid.u32  }
0xfc: {  	s1 =	rddreg [dreg:$0x1];
	p0 =	sne.s32 s2, $0x0  }
0xfd: {  	s3 =	rddreg [dreg:$0x2];
	[bflag:$0x3] =	sbarrier.arrive $0xFFFF;
	s2 =	simm.s32 @!p0 $0x1C02  }
0xfe: {  	[timem:s3], [sflag:s2] =	dma.local @!p0 [hbm:s0], s1  }
0xff: {  	s0 =	simm.s32 @!p0 $0x2  }
0x100: {  	_ =	swait.ge @!p0 [sflag:s0], s1  }
0x101: {  	s1 =	ssub.s32 @!p0 $0x0, s1;
	[sflag:s0] =	ssyncset.done @!p0 $0x0  }
0x102: {  	[sflag:s0] =	ssyncadd.s32 @!p0 s1  }
0x103: {  	[bflag:$0x3] =	sbarrier.arrive $0xFFFF  }
0x104: {  	_ =	shalt  }

</sc_bundles>
